<compile_context>
chip_gen: v7x
topology: tpu7x:2x2x1
jax: 0.10.2.dev20260603
libtpu: 0.0.44.dev20260713+nightly
codegen_flags: <defaults>
</compile_context>

<pallas_src>
import jax
import jax.numpy as jnp
from jax import lax
from jax.experimental import pallas as pl
from jax.experimental.pallas import tpu as pltpu
from jax.experimental.pallas import tpu_sc as plsc

B, C_IN, C_OUT, H, W_DIM, E, K = 16, 384, 384, 56, 56, 8, 3
NPIX = H * W_DIM
RPAD = 64
XROWS = NPIX + 2 * RPAD


def _sc_dispatch(dec_hbm, sdec_hbm, ord_hbm, dec_v, sdec_v, ord_v):
    wid = lax.axis_index("s") * 2 + lax.axis_index("c")

    @pl.when(wid == 0)
    def _():
        pltpu.sync_copy(dec_hbm, dec_v)
        keys = dec_v[...]
        lanes = lax.iota(jnp.int32, B)
        sd, so = plsc.sort_key_val(keys, lanes)
        sdec_v[...] = sd
        ord_v[...] = so
        pltpu.sync_copy(sdec_v, sdec_hbm)
        pltpu.sync_copy(ord_v, ord_hbm)


def _router_body(x_ref, wc_ref, bc_ref, xp_ref, dec_ref):
    xb = x_ref[0].astype(jnp.bfloat16)
    xp_ref[0, :RPAD, :] = jnp.zeros((RPAD, C_IN), jnp.bfloat16)
    xp_ref[0, pl.ds(RPAD, NPIX), :] = xb
    xp_ref[0, pl.ds(RPAD + NPIX, RPAD), :] = jnp.zeros((RPAD, C_IN), jnp.bfloat16)
    ones_p = jnp.ones((E, NPIX), jnp.bfloat16)
    t = lax.dot_general(ones_p, xb, (((1,), (0,)), ((), ())),
                        preferred_element_type=jnp.float32)
    logits = jnp.sum(wc_ref[...] * t, axis=1) * (1.0 / (H * W_DIM)) + bc_ref[...]
    maxv = jnp.max(logits)
    idx = lax.broadcasted_iota(jnp.int32, (E,), 0)
    dec = jnp.min(jnp.where(logits == maxv, idx, E + 1))
    dec_ref[pl.program_id(0)] = dec


def _conv_body(sd_ref, od_ref, x_ref, w_ref, b_ref, o_ref, xcat_ref):
    row = lax.broadcasted_iota(jnp.int32, (NPIX, 1), 0) % W_DIM
    mask_m = (row != 0).astype(jnp.bfloat16)
    mask_p = (row != W_DIM - 1).astype(jnp.bfloat16)
    for k in range(9):
        kh, kw = k // 3, k % 3
        s = (kh - 1) * W_DIM + (kw - 1)
        xs = x_ref[0, pl.ds(RPAD + s, NPIX), :]
        if kw == 0:
            xs = xs * mask_m
        elif kw == 2:
            xs = xs * mask_p
        xcat_ref[:, k * C_IN:(k + 1) * C_IN] = xs
    wcat = w_ref[0].reshape(9 * C_IN, C_OUT)
    acc = lax.dot_general(
        xcat_ref[...], wcat,
        (((1,), (0,)), ((), ())),
        preferred_element_type=jnp.float32,
    )
    o_ref[0] = acc + b_ref[0, 0, :]


def kernel(x, W_ctl, b_ctl, W_exp, b_exp):
    x_p, decisions = pl.pallas_call(
        _router_body,
        grid=(B,),
        in_specs=[
            pl.BlockSpec((1, NPIX, C_IN), lambda b: (b, 0, 0)),
            pl.BlockSpec((E, C_IN), lambda b: (0, 0)),
            pl.BlockSpec((E,), lambda b: (0,)),
        ],
        out_specs=[
            pl.BlockSpec((1, XROWS, C_IN), lambda b: (b, 0, 0)),
            pl.BlockSpec((B,), lambda b: (0,), memory_space=pltpu.SMEM),
        ],
        out_shape=[
            jax.ShapeDtypeStruct((B, XROWS, C_IN), jnp.bfloat16),
            jax.ShapeDtypeStruct((B,), jnp.int32),
        ],
    )(x.transpose(0, 2, 3, 1).reshape(B, NPIX, C_IN), W_ctl[:, :, 0, 0], b_ctl)

    mesh = plsc.VectorSubcoreMesh(core_axis_name="c", subcore_axis_name="s")
    sorted_dec, order = pl.kernel(
        _sc_dispatch,
        mesh=mesh,
        out_type=[
            jax.ShapeDtypeStruct((B,), jnp.int32),
            jax.ShapeDtypeStruct((B,), jnp.int32),
        ],
        scratch_types=[
            pltpu.VMEM((B,), jnp.int32),
            pltpu.VMEM((B,), jnp.int32),
            pltpu.VMEM((B,), jnp.int32),
        ],
        compiler_params=pltpu.CompilerParams(needs_layout_passes=False),
    )(decisions)

    w_r = W_exp.astype(jnp.bfloat16).transpose(0, 3, 4, 2, 1).reshape(E, 9, C_IN, C_OUT)

    grid_spec = pltpu.PrefetchScalarGridSpec(
        num_scalar_prefetch=2,
        grid=(B,),
        in_specs=[
            pl.BlockSpec((1, XROWS, C_IN), lambda b, sd, od: (od[b], 0, 0)),
            pl.BlockSpec((1, 9, C_IN, C_OUT), lambda b, sd, od: (sd[b], 0, 0, 0)),
            pl.BlockSpec((1, 1, C_OUT), lambda b, sd, od: (sd[b], 0, 0)),
        ],
        out_specs=pl.BlockSpec((1, NPIX, C_OUT), lambda b, sd, od: (od[b], 0, 0)),
        scratch_shapes=[pltpu.VMEM((NPIX, 9 * C_IN), jnp.bfloat16)],
    )
    out = pl.pallas_call(
        _conv_body,
        grid_spec=grid_spec,
        out_shape=jax.ShapeDtypeStruct((B, NPIX, C_OUT), jnp.float32),
    )(sorted_dec, order, x_p, w_r, b_exp.reshape(E, 1, C_OUT))

    return out.reshape(B, H, W_DIM, C_OUT).transpose(0, 3, 1, 2)

# --- scband reference (transcript-rebuilt; emitter-appended) ---
"""Pipeline reference for scband-modular-net-controller-86363202388558 (READ-ONLY COPY).

The authoritative reference and input builder live on the scoring server;
editing this copy changes nothing except your own understanding.
"""

import jax, jax.numpy as jnp
import numpy as np

B, C_IN, C_OUT, H, W_DIM, E, K = 16, 384, 384, 56, 56, 8, 3


def setup_inputs(seed: int = 0) -> dict:
    key = jax.random.key(seed)
    k1, k2, k3, k4, k5 = jax.random.split(key, 5)
    x = jax.random.normal(k1, (B, C_IN, H, W_DIM), dtype=jnp.float32)
    # controller: Conv2d(inplane, E, kernel_size=1)
    W_ctl = jax.random.normal(k2, (E, C_IN, 1, 1), dtype=jnp.float32) * (1.0 / np.sqrt(C_IN))
    b_ctl = jax.random.normal(k3, (E,), dtype=jnp.float32) * 0.01
    # experts: E x Conv2d(inplane, outplane, kernel_size=3, padding=1)
    W_exp = jax.random.normal(k4, (E, C_OUT, C_IN, K, K), dtype=jnp.float32) * (1.0 / np.sqrt(C_IN * K * K))
    b_exp = jax.random.normal(k5, (E, C_OUT), dtype=jnp.float32) * 0.01
    return {"x": x, "W_ctl": W_ctl, "b_ctl": b_ctl, "W_exp": W_exp, "b_exp": b_exp}


def _conv_same(x, w):
    return jax.lax.conv_general_dilated(
        x, w, window_strides=(1, 1), padding="SAME",
        dimension_numbers=("NCHW", "OIHW", "NCHW"))


def reference(x, W_ctl, b_ctl, W_exp, b_exp):
    # controller: 1x1 conv -> AdaptiveAvgPool2d(1) -> flatten -> argmax
    ctl = jnp.einsum("bchw,ec->behw", x, W_ctl[:, :, 0, 0]) + b_ctl[None, :, None, None]
    ctl_logits = jnp.mean(ctl, axis=(2, 3))  # [B, E]
    decisions = jnp.argmax(ctl_logits, axis=1)  # [B]
    # gather per-sample expert params (SparseCore gather)
    w_sel = jnp.take(W_exp, decisions, axis=0)  # [B, C_OUT, C_IN, K, K]
    b_sel = jnp.take(b_exp, decisions, axis=0)  # [B, C_OUT]

    def per_sample(xi, wi, bi):
        yi = _conv_same(xi[None], wi)[0]
        return yi + bi[:, None, None]

    out = jax.vmap(per_sample)(x, w_sel, b_sel)  # [B, C_OUT, H, W]
    return out

if __name__ == "__main__":
    import jax
    _d = setup_inputs()
    print(jax.jit(kernel)(*tuple(_d.values())))

</pallas_src>

<mosaic_0001>
#map = affine_map<(d0, d1) -> (0)>
module attributes {stable_mosaic.version = 14 : i64} {
  func.func @_sc_dispatch(%arg0: i32, %arg1: i32, %arg2: memref<16xi32, #tpu.memory_space<hbm>>, %arg3: memref<16xi32, #tpu.memory_space<hbm>>, %arg4: memref<16xi32, #tpu.memory_space<hbm>>, %arg5: memref<16xi32, #tpu.memory_space<vmem>>, %arg6: memref<16xi32, #tpu.memory_space<vmem>>, %arg7: memref<16xi32, #tpu.memory_space<vmem>>) attributes {dimension_semantics = [#tpu.dimension_semantics<core_parallel>, #tpu.dimension_semantics<subcore_parallel>], iteration_bounds = array<i64: 2, 16>, scalar_prefetch = 0 : i64, scratch_operands = 3 : i64, tpu.core_type = #tpu.core_type<sc_vector_subcore>, window_params = [{transform_indices = #map}, {transform_indices = #map}, {transform_indices = #map}]} {
    %mul3A = arith.constant 2 : i32
    %mul3A_0 = arith.muli %arg1, %mul3A : i32
    %add3A = arith.addi %mul3A_0, %arg0 : i32
    %eq3A = arith.constant 0 : i32
    %eq3A_1 = arith.cmpi eq, %add3A, %eq3A : i32
    %convert_element_type3A = arith.extui %eq3A_1 : i1 to i32
    %cond3A = arith.constant 0 : i32
    %cond3A_2 = arith.cmpi ne, %convert_element_type3A, %cond3A : i32
    scf.if %cond3A_2 {
      "tpu.region"() ({
        %run_scoped3A = tpu.sem_alloc : memref<!tpu.dma_semaphore, #tpu.memory_space<semaphore_mem>>
        tpu.enqueue_dma source(%arg2 : memref<16xi32, #tpu.memory_space<hbm>>) target(%arg5 : memref<16xi32, #tpu.memory_space<vmem>>) target_semaphore(%run_scoped3A : memref<!tpu.dma_semaphore, #tpu.memory_space<semaphore_mem>>)
        tpu.wait_dma2 semaphore(%run_scoped3A : memref<!tpu.dma_semaphore, #tpu.memory_space<semaphore_mem>>) src(%arg2 : memref<16xi32, #tpu.memory_space<hbm>>) dst(%arg5 : memref<16xi32, #tpu.memory_space<vmem>>)
        tpu.yield
      }) : () -> ()
      %get3A = arith.constant 0 : index
      %get3A_3 = tpu.vector_load %arg5[%get3A] {strides = array<i32>} : memref<16xi32, #tpu.memory_space<vmem>>, vector<16xi32>,
      %iota3A = tpu.iota {dimensions = array<i32: 0>} : vector<16xi32>
      %masked_sort3A = arith.constant dense<true> : vector<16xi1>
      %masked_sort3A_4 = arith.constant -2147483648 : i32
      %masked_sort3A_5 = vector.broadcast %masked_sort3A_4 : i32 to vector<16xi32>
      %masked_sort3A_6 = arith.xori %get3A_3, %masked_sort3A_5 : vector<16xi32>
      %masked_sort3A_7, %masked_sort3A_8, %masked_sort3A_9 = tpu.sort %masked_sort3A_6, %iota3A masked %masked_sort3A : (vector<16xi32>, vector<16xi32>, vector<16xi1>) -> (vector<16xi1>, vector<16xi32>, vector<16xi32>)
      %masked_sort3A_10 = arith.xori %masked_sort3A_8, %masked_sort3A_5 : vector<16xi32>
      %swap3A = arith.constant 0 : index
      %swap3A_11 = tpu.vector_load %arg6[%swap3A] {strides = array<i32>} : memref<16xi32, #tpu.memory_space<vmem>>, vector<16xi32>,
      tpu.vector_store %arg6[%swap3A], %masked_sort3A_10 {strides = array<i32>} : memref<16xi32, #tpu.memory_space<vmem>>, vector<16xi32>,
      %swap3A_12 = arith.constant 0 : index
      %swap3A_13 = tpu.vector_load %arg7[%swap3A_12] {strides = array<i32>} : memref<16xi32, #tpu.memory_space<vmem>>, vector<16xi32>,
      tpu.vector_store %arg7[%swap3A_12], %masked_sort3A_9 {strides = array<i32>} : memref<16xi32, #tpu.memory_space<vmem>>, vector<16xi32>,
      "tpu.region"() ({
        %run_scoped3A = tpu.sem_alloc : memref<!tpu.dma_semaphore, #tpu.memory_space<semaphore_mem>>
        tpu.enqueue_dma source(%arg6 : memref<16xi32, #tpu.memory_space<vmem>>) target(%arg3 : memref<16xi32, #tpu.memory_space<hbm>>) target_semaphore(%run_scoped3A : memref<!tpu.dma_semaphore, #tpu.memory_space<semaphore_mem>>)
        tpu.wait_dma2 semaphore(%run_scoped3A : memref<!tpu.dma_semaphore, #tpu.memory_space<semaphore_mem>>) src(%arg6 : memref<16xi32, #tpu.memory_space<vmem>>) dst(%arg3 : memref<16xi32, #tpu.memory_space<hbm>>)
        tpu.yield
      }) : () -> ()
      "tpu.region"() ({
        %run_scoped3A = tpu.sem_alloc : memref<!tpu.dma_semaphore, #tpu.memory_space<semaphore_mem>>
        tpu.enqueue_dma source(%arg7 : memref<16xi32, #tpu.memory_space<vmem>>) target(%arg4 : memref<16xi32, #tpu.memory_space<hbm>>) target_semaphore(%run_scoped3A : memref<!tpu.dma_semaphore, #tpu.memory_space<semaphore_mem>>)
        tpu.wait_dma2 semaphore(%run_scoped3A : memref<!tpu.dma_semaphore, #tpu.memory_space<semaphore_mem>>) src(%arg7 : memref<16xi32, #tpu.memory_space<vmem>>) dst(%arg4 : memref<16xi32, #tpu.memory_space<hbm>>)
        tpu.yield
      }) : () -> ()
    } else {
    }
    return
  }
}

module attributes {stable_mosaic.version = 14 : i64} {
  func.func @_router_body(%arg0: i32, %arg1: memref<1x3136x384xf32, #tpu.memory_space<vmem>>, %arg2: memref<8x384xf32, #tpu.memory_space<vmem>>, %arg3: memref<8xf32, #tpu.memory_space<vmem>>, %arg4: memref<1x3264x384xbf16, #tpu.memory_space<vmem>>, %arg5: memref<16xi32, #tpu.memory_space<smem>>) attributes {dimension_semantics = [#tpu.dimension_semantics<arbitrary>], iteration_bounds = array<i64: 16>, scalar_prefetch = 0 : i64, scratch_operands = 0 : i64, tpu.core_type = #tpu.core_type<tc>, window_params = [{transform_indices = @transform_0, window_bounds = array<i64: 1, 3136, 384>}, {pipeline_mode = #tpu.pipeline_mode<synchronous>, transform_indices = @transform_1, window_bounds = array<i64: 8, 384>}, {pipeline_mode = #tpu.pipeline_mode<synchronous>, transform_indices = @transform_2, window_bounds = array<i64: 8>}, {transform_indices = @transform_3, window_bounds = array<i64: 1, 3264, 384>}, {transform_indices = @transform_4, window_bounds = array<i64: 16>}]} {
    %get3A = arith.constant 0 : index
    %get3A_0 = arith.constant 0 : index
    %get3A_1 = arith.constant 0 : index
    %get3A_2 = vector.load %arg1[%get3A, %get3A_0, %get3A_1] : memref<1x3136x384xf32, #tpu.memory_space<vmem>>, vector<1x3136x384xf32>
    %get3A_3 = vector.shape_cast %get3A_2 : vector<1x3136x384xf32> to vector<3136x384xf32>
    %convert_element_type3A = arith.truncf %get3A_3 : vector<3136x384xf32> to vector<3136x384xbf16>
    %broadcast_in_dim3A = arith.constant 0.000000e+00 : bf16
    %broadcast_in_dim3A_4 = vector.broadcast %broadcast_in_dim3A : bf16 to vector<64x384xbf16>
    %swap3A = arith.constant 0 : index
    %swap3A_5 = arith.constant 0 : index
    %swap3A_6 = arith.constant 0 : index
    %swap3A_7 = vector.load %arg4[%swap3A, %swap3A_5, %swap3A_6] : memref<1x3264x384xbf16, #tpu.memory_space<vmem>>, vector<1x64x384xbf16>
    %swap3A_8 = vector.shape_cast %swap3A_7 : vector<1x64x384xbf16> to vector<64x384xbf16>
    %swap3A_9 = vector.shape_cast %broadcast_in_dim3A_4 : vector<64x384xbf16> to vector<1x64x384xbf16>
    tpu.vector_store %arg4[%swap3A, %swap3A_5, %swap3A_6], %swap3A_9 {strides = array<i32>} : memref<1x3264x384xbf16, #tpu.memory_space<vmem>>, vector<1x64x384xbf16>,
    %swap3A_10 = arith.constant 0 : index
    %swap3A_11 = arith.constant 64 : index
    %swap3A_12 = arith.constant 0 : index
    %swap3A_13 = vector.load %arg4[%swap3A_10, %swap3A_11, %swap3A_12] : memref<1x3264x384xbf16, #tpu.memory_space<vmem>>, vector<1x3136x384xbf16>
    %swap3A_14 = vector.shape_cast %swap3A_13 : vector<1x3136x384xbf16> to vector<3136x384xbf16>
    %swap3A_15 = vector.shape_cast %convert_element_type3A : vector<3136x384xbf16> to vector<1x3136x384xbf16>
    tpu.vector_store %arg4[%swap3A_10, %swap3A_11, %swap3A_12], %swap3A_15 {strides = array<i32>} : memref<1x3264x384xbf16, #tpu.memory_space<vmem>>, vector<1x3136x384xbf16>,
    %broadcast_in_dim3A_16 = arith.constant 0.000000e+00 : bf16
    %broadcast_in_dim3A_17 = vector.broadcast %broadcast_in_dim3A_16 : bf16 to vector<64x384xbf16>
    %swap3A_18 = arith.constant 0 : index
    %swap3A_19 = arith.constant 3200 : index
    %swap3A_20 = arith.constant 0 : index
    %swap3A_21 = vector.load %arg4[%swap3A_18, %swap3A_19, %swap3A_20] : memref<1x3264x384xbf16, #tpu.memory_space<vmem>>, vector<1x64x384xbf16>
    %swap3A_22 = vector.shape_cast %swap3A_21 : vector<1x64x384xbf16> to vector<64x384xbf16>
    %swap3A_23 = vector.shape_cast %broadcast_in_dim3A_17 : vector<64x384xbf16> to vector<1x64x384xbf16>
    tpu.vector_store %arg4[%swap3A_18, %swap3A_19, %swap3A_20], %swap3A_23 {strides = array<i32>} : memref<1x3264x384xbf16, #tpu.memory_space<vmem>>, vector<1x64x384xbf16>,
    %broadcast_in_dim3A_24 = arith.constant 1.000000e+00 : bf16
    %broadcast_in_dim3A_25 = vector.broadcast %broadcast_in_dim3A_24 : bf16 to vector<8x3136xbf16>
    %dot_general3A = arith.constant dense<0.000000e+00> : vector<8x384xf32>
    %dot_general3A_26 = tpu.matmul %broadcast_in_dim3A_25, %convert_element_type3A, %dot_general3A {dimension_numbers = #tpu.dot_dimension_numbers<[1], [0], [0], [1], [0, 0, 1, 1], [], []>, transpose_lhs_hint = false} : vector<8x3136xbf16>, vector<3136x384xbf16>, vector<8x384xf32> -> vector<8x384xf32>
    %get3A_27 = arith.constant 0 : index
    %get3A_28 = arith.constant 0 : index
    %get3A_29 = vector.load %arg2[%get3A_27, %get3A_28] : memref<8x384xf32, #tpu.memory_space<vmem>>, vector<8x384xf32>
    %mul3A = arith.mulf %get3A_29, %dot_general3A_26 : vector<8x384xf32>
    %reduce_sum3A = arith.constant dense<0.000000e+00> : vector<8xf32>
    %reduce_sum3A_30 = vector.multi_reduction <add>, %mul3A, %reduce_sum3A [1] : vector<8x384xf32> to vector<8xf32>
    %mul3A_31 = arith.constant 3.18877544E-4 : f32
    %mul3A_32 = vector.broadcast %mul3A_31 : f32 to vector<8xf32>
    %mul3A_33 = arith.mulf %reduce_sum3A_30, %mul3A_32 : vector<8xf32>
    %get3A_34 = arith.constant 0 : index
    %get3A_35 = vector.load %arg3[%get3A_34] : memref<8xf32, #tpu.memory_space<vmem>>, vector<8xf32>
    %add3A = arith.addf %mul3A_33, %get3A_35 : vector<8xf32>
    %reduce_max3A = vector.shape_cast %add3A : vector<8xf32> to vector<1x8xf32>
    %reduce_max3A_36 = arith.constant dense<0xFF800000> : vector<1xf32>
    %reduce_max3A_37 = vector.multi_reduction <maximumf>, %reduce_max3A, %reduce_max3A_36 [1] : vector<1x8xf32> to vector<1xf32>
    %reduce_max3A_38 = vector.shape_cast %reduce_max3A_37 : vector<1xf32> to vector<1x1xf32>
    %reduce_max3A_39 = vector.extract %reduce_max3A_38[0, 0] : f32 from vector<1x1xf32>
    %iota3A = tpu.iota {dimensions = array<i32: 1>} : vector<1x8xi32>
    %iota3A_40 = vector.shape_cast %iota3A : vector<1x8xi32> to vector<8xi32>
    %eq3A = vector.broadcast %reduce_max3A_39 : f32 to vector<8xf32>
    %eq3A_41 = arith.cmpf oeq, %add3A, %eq3A : vector<8xf32>
    %jit3A = arith.constant 9 : i32
    %broadcast_in_dim3A_42 = vector.broadcast %jit3A : i32 to vector<8xi32>
    %select_n3A = arith.select %eq3A_41, %iota3A_40, %broadcast_in_dim3A_42 : vector<8xi1>, vector<8xi32>
    %reduce_min3A = vector.shape_cast %select_n3A : vector<8xi32> to vector<1x8xi32>
    %reduce_min3A_43 = arith.constant dense<2147483647> : vector<1xi32>
    %reduce_min3A_44 = vector.multi_reduction <minsi>, %reduce_min3A, %reduce_min3A_43 [1] : vector<1x8xi32> to vector<1xi32>
    %reduce_min3A_45 = vector.shape_cast %reduce_min3A_44 : vector<1xi32> to vector<1x1xi32>
    %reduce_min3A_46 = vector.extract %reduce_min3A_45[0, 0] : i32 from vector<1x1xi32>
    %swap3A_47 = arith.index_cast %arg0 : i32 to index
    %swap3A_48 = memref.load %arg5[%swap3A_47] : memref<16xi32, #tpu.memory_space<smem>>
    memref.store %reduce_min3A_46, %arg5[%swap3A_47] : memref<16xi32, #tpu.memory_space<smem>>
    return
  }
  func.func @transform_0(%arg0: i32) -> (i32, i32, i32) {
    %c0_i32 = arith.constant 0 : i32
    %c0_i32_0 = arith.constant 0 : i32
    %c0_i32_1 = arith.constant 0 : i32
    return %arg0, %c0_i32, %c0_i32_0 : i32, i32, i32
  }
  func.func @transform_1(%arg0: i32) -> (i32, i32) {
    %c0_i32 = arith.constant 0 : i32
    %c0_i32_0 = arith.constant 0 : i32
    %c0_i32_1 = arith.constant 0 : i32
    return %c0_i32, %c0_i32_0 : i32, i32
  }
  func.func @transform_2(%arg0: i32) -> i32 {
    %c0_i32 = arith.constant 0 : i32
    %c0_i32_0 = arith.constant 0 : i32
    return %c0_i32 : i32
  }
  func.func @transform_3(%arg0: i32) -> (i32, i32, i32) {
    %c0_i32 = arith.constant 0 : i32
    %c0_i32_0 = arith.constant 0 : i32
    %c0_i32_1 = arith.constant 0 : i32
    return %arg0, %c0_i32, %c0_i32_0 : i32, i32, i32
  }
  func.func @transform_4(%arg0: i32) -> i32 {
    %c0_i32 = arith.constant 0 : i32
    %c0_i32_0 = arith.constant 0 : i32
    return %c0_i32 : i32
  }
}

module attributes {stable_mosaic.version = 14 : i64} {
  func.func @_conv_body(%arg0: i32, %arg1: memref<16xi32, #tpu.memory_space<smem>>, %arg2: memref<16xi32, #tpu.memory_space<smem>>, %arg3: memref<1x3264x384xbf16, #tpu.memory_space<vmem>>, %arg4: memref<1x9x384x384xbf16, #tpu.memory_space<vmem>>, %arg5: memref<1x1x384xf32, #tpu.memory_space<vmem>>, %arg6: memref<1x3136x384xf32, #tpu.memory_space<vmem>>, %arg7: memref<3136x3456xbf16, #tpu.memory_space<vmem>>) attributes {dimension_semantics = [#tpu.dimension_semantics<arbitrary>], iteration_bounds = array<i64: 16>, scalar_prefetch = 2 : i64, scratch_operands = 1 : i64, tpu.core_type = #tpu.core_type<tc>, window_params = [{transform_indices = @transform_0, window_bounds = array<i64: 1, 3264, 384>}, {transform_indices = @transform_1, window_bounds = array<i64: 1, 9, 384, 384>}, {transform_indices = @transform_2, window_bounds = array<i64: 1, 1, 384>}, {transform_indices = @transform_3, window_bounds = array<i64: 1, 3136, 384>}]} {
    %iota3A = tpu.iota {dimensions = array<i32: 0>} : vector<3136x1xi32>
    %jit3A = arith.constant 56 : i32
    %eq3A = arith.constant 0 : i32
    %eq3A_0 = arith.cmpi eq, %jit3A, %eq3A : i32
    %jit3A_1 = arith.constant 1 : i32
    %select_n3A = arith.select %eq3A_0, %jit3A_1, %jit3A : i32
    %rem3A = vector.broadcast %select_n3A : i32 to vector<3136x1xi32>
    %rem3A_2 = arith.remsi %iota3A, %rem3A : vector<3136x1xi32>
    %ne3A = arith.constant 0 : i32
    %ne3A_3 = vector.broadcast %ne3A : i32 to vector<3136x1xi32>
    %ne3A_4 = arith.cmpi ne, %rem3A_2, %ne3A_3 : vector<3136x1xi32>
    %lt3A = arith.constant 0 : i32
    %lt3A_5 = vector.broadcast %lt3A : i32 to vector<3136x1xi32>
    %lt3A_6 = arith.cmpi slt, %rem3A_2, %lt3A_5 : vector<3136x1xi32>
    %lt3A_7 = arith.constant 0 : i32
    %lt3A_8 = arith.cmpi slt, %select_n3A, %lt3A_7 : i32
    %ne3A_9 = vector.broadcast %lt3A_8 : i1 to vector<3136x1xi1>
    %ne3A_10 = vector.broadcast %ne3A_9 : vector<3136x1xi1> to vector<3136x1xi1>
    %ne3A_11 = arith.xori %lt3A_6, %ne3A_10 : vector<3136x1xi1>
    %and3A = arith.andi %ne3A_11, %ne3A_4 : vector<3136x1xi1>
    %add3A = vector.broadcast %select_n3A : i32 to vector<3136x1xi32>
    %add3A_12 = arith.addi %rem3A_2, %add3A : vector<3136x1xi32>
    %select_n3A_13 = arith.select %and3A, %add3A_12, %rem3A_2 : vector<3136x1xi1>, vector<3136x1xi32>
    %ne3A_14 = arith.constant 0 : i32
    %ne3A_15 = vector.broadcast %ne3A_14 : i32 to vector<3136x1xi32>
    %ne3A_16 = arith.cmpi ne, %select_n3A_13, %ne3A_15 : vector<3136x1xi32>
    %convert_element_type3A = arith.extui %ne3A_16 : vector<3136x1xi1> to vector<3136x1xi32>
    %convert_element_type3A_17 = arith.sitofp %convert_element_type3A : vector<3136x1xi32> to vector<3136x1xf32>
    %convert_element_type3A_18 = arith.truncf %convert_element_type3A_17 : vector<3136x1xf32> to vector<3136x1xbf16>
    %ne3A_19 = arith.constant 55 : i32
    %ne3A_20 = vector.broadcast %ne3A_19 : i32 to vector<3136x1xi32>
    %ne3A_21 = arith.cmpi ne, %select_n3A_13, %ne3A_20 : vector<3136x1xi32>
    %convert_element_type3A_22 = arith.extui %ne3A_21 : vector<3136x1xi1> to vector<3136x1xi32>
    %convert_element_type3A_23 = arith.sitofp %convert_element_type3A_22 : vector<3136x1xi32> to vector<3136x1xf32>
    %convert_element_type3A_24 = arith.truncf %convert_element_type3A_23 : vector<3136x1xf32> to vector<3136x1xbf16>
    %get3A = arith.constant 0 : index
    %get3A_25 = arith.constant 7 : index
    %get3A_26 = arith.constant 0 : index
    %get3A_27 = vector.load %arg3[%get3A, %get3A_25, %get3A_26] : memref<1x3264x384xbf16, #tpu.memory_space<vmem>>, vector<1x3136x384xbf16>
    %get3A_28 = vector.shape_cast %get3A_27 : vector<1x3136x384xbf16> to vector<3136x384xbf16>
    %mul3A = vector.broadcast %convert_element_type3A_18 : vector<3136x1xbf16> to vector<3136x384xbf16>
    %mul3A_29 = arith.mulf %get3A_28, %mul3A : vector<3136x384xbf16>
    %swap3A = arith.constant 0 : index
    %swap3A_30 = arith.constant 0 : index
    %swap3A_31 = vector.load %arg7[%swap3A, %swap3A_30] : memref<3136x3456xbf16, #tpu.memory_space<vmem>>, vector<3136x384xbf16>
    tpu.vector_store %arg7[%swap3A, %swap3A_30], %mul3A_29 {strides = array<i32>} : memref<3136x3456xbf16, #tpu.memory_space<vmem>>, vector<3136x384xbf16>,
    %get3A_32 = arith.constant 0 : index
    %get3A_33 = arith.constant 8 : index
    %get3A_34 = arith.constant 0 : index
    %get3A_35 = vector.load %arg3[%get3A_32, %get3A_33, %get3A_34] : memref<1x3264x384xbf16, #tpu.memory_space<vmem>>, vector<1x3136x384xbf16>
    %get3A_36 = vector.shape_cast %get3A_35 : vector<1x3136x384xbf16> to vector<3136x384xbf16>
    %swap3A_37 = arith.constant 0 : index
    %swap3A_38 = arith.constant 384 : index
    %swap3A_39 = vector.load %arg7[%swap3A_37, %swap3A_38] : memref<3136x3456xbf16, #tpu.memory_space<vmem>>, vector<3136x384xbf16>
    tpu.vector_store %arg7[%swap3A_37, %swap3A_38], %get3A_36 {strides = array<i32>} : memref<3136x3456xbf16, #tpu.memory_space<vmem>>, vector<3136x384xbf16>,
    %get3A_40 = arith.constant 0 : index
    %get3A_41 = arith.constant 9 : index
    %get3A_42 = arith.constant 0 : index
    %get3A_43 = vector.load %arg3[%get3A_40, %get3A_41, %get3A_42] : memref<1x3264x384xbf16, #tpu.memory_space<vmem>>, vector<1x3136x384xbf16>
    %get3A_44 = vector.shape_cast %get3A_43 : vector<1x3136x384xbf16> to vector<3136x384xbf16>
    %mul3A_45 = vector.broadcast %convert_element_type3A_24 : vector<3136x1xbf16> to vector<3136x384xbf16>
    %mul3A_46 = arith.mulf %get3A_44, %mul3A_45 : vector<3136x384xbf16>
    %swap3A_47 = arith.constant 0 : index
    %swap3A_48 = arith.constant 768 : index
    %swap3A_49 = vector.load %arg7[%swap3A_47, %swap3A_48] : memref<3136x3456xbf16, #tpu.memory_space<vmem>>, vector<3136x384xbf16>
    tpu.vector_store %arg7[%swap3A_47, %swap3A_48], %mul3A_46 {strides = array<i32>} : memref<3136x3456xbf16, #tpu.memory_space<vmem>>, vector<3136x384xbf16>,
    %get3A_50 = arith.constant 0 : index
    %get3A_51 = arith.constant 63 : index
    %get3A_52 = arith.constant 0 : index
    %get3A_53 = vector.load %arg3[%get3A_50, %get3A_51, %get3A_52] : memref<1x3264x384xbf16, #tpu.memory_space<vmem>>, vector<1x3136x384xbf16>
    %get3A_54 = vector.shape_cast %get3A_53 : vector<1x3136x384xbf16> to vector<3136x384xbf16>
    %mul3A_55 = vector.broadcast %convert_element_type3A_18 : vector<3136x1xbf16> to vector<3136x384xbf16>
    %mul3A_56 = arith.mulf %get3A_54, %mul3A_55 : vector<3136x384xbf16>
    %swap3A_57 = arith.constant 0 : index
    %swap3A_58 = arith.constant 1152 : index
    %swap3A_59 = vector.load %arg7[%swap3A_57, %swap3A_58] : memref<3136x3456xbf16, #tpu.memory_space<vmem>>, vector<3136x384xbf16>
    tpu.vector_store %arg7[%swap3A_57, %swap3A_58], %mul3A_56 {strides = array<i32>} : memref<3136x3456xbf16, #tpu.memory_space<vmem>>, vector<3136x384xbf16>,
    %get3A_60 = arith.constant 0 : index
    %get3A_61 = arith.constant 64 : index
    %get3A_62 = arith.constant 0 : index
    %get3A_63 = vector.load %arg3[%get3A_60, %get3A_61, %get3A_62] : memref<1x3264x384xbf16, #tpu.memory_space<vmem>>, vector<1x3136x384xbf16>
    %get3A_64 = vector.shape_cast %get3A_63 : vector<1x3136x384xbf16> to vector<3136x384xbf16>
    %swap3A_65 = arith.constant 0 : index
    %swap3A_66 = arith.constant 1536 : index
    %swap3A_67 = vector.load %arg7[%swap3A_65, %swap3A_66] : memref<3136x3456xbf16, #tpu.memory_space<vmem>>, vector<3136x384xbf16>
    tpu.vector_store %arg7[%swap3A_65, %swap3A_66], %get3A_64 {strides = array<i32>} : memref<3136x3456xbf16, #tpu.memory_space<vmem>>, vector<3136x384xbf16>,
    %get3A_68 = arith.constant 0 : index
    %get3A_69 = arith.constant 65 : index
    %get3A_70 = arith.constant 0 : index
    %get3A_71 = vector.load %arg3[%get3A_68, %get3A_69, %get3A_70] : memref<1x3264x384xbf16, #tpu.memory_space<vmem>>, vector<1x3136x384xbf16>
    %get3A_72 = vector.shape_cast %get3A_71 : vector<1x3136x384xbf16> to vector<3136x384xbf16>
    %mul3A_73 = vector.broadcast %convert_element_type3A_24 : vector<3136x1xbf16> to vector<3136x384xbf16>
    %mul3A_74 = arith.mulf %get3A_72, %mul3A_73 : vector<3136x384xbf16>
    %swap3A_75 = arith.constant 0 : index
    %swap3A_76 = arith.constant 1920 : index
    %swap3A_77 = vector.load %arg7[%swap3A_75, %swap3A_76] : memref<3136x3456xbf16, #tpu.memory_space<vmem>>, vector<3136x384xbf16>
    tpu.vector_store %arg7[%swap3A_75, %swap3A_76], %mul3A_74 {strides = array<i32>} : memref<3136x3456xbf16, #tpu.memory_space<vmem>>, vector<3136x384xbf16>,
    %get3A_78 = arith.constant 0 : index
    %get3A_79 = arith.constant 119 : index
    %get3A_80 = arith.constant 0 : index
    %get3A_81 = vector.load %arg3[%get3A_78, %get3A_79, %get3A_80] : memref<1x3264x384xbf16, #tpu.memory_space<vmem>>, vector<1x3136x384xbf16>
    %get3A_82 = vector.shape_cast %get3A_81 : vector<1x3136x384xbf16> to vector<3136x384xbf16>
    %mul3A_83 = vector.broadcast %convert_element_type3A_18 : vector<3136x1xbf16> to vector<3136x384xbf16>
    %mul3A_84 = arith.mulf %get3A_82, %mul3A_83 : vector<3136x384xbf16>
    %swap3A_85 = arith.constant 0 : index
    %swap3A_86 = arith.constant 2304 : index
    %swap3A_87 = vector.load %arg7[%swap3A_85, %swap3A_86] : memref<3136x3456xbf16, #tpu.memory_space<vmem>>, vector<3136x384xbf16>
    tpu.vector_store %arg7[%swap3A_85, %swap3A_86], %mul3A_84 {strides = array<i32>} : memref<3136x3456xbf16, #tpu.memory_space<vmem>>, vector<3136x384xbf16>,
    %get3A_88 = arith.constant 0 : index
    %get3A_89 = arith.constant 120 : index
    %get3A_90 = arith.constant 0 : index
    %get3A_91 = vector.load %arg3[%get3A_88, %get3A_89, %get3A_90] : memref<1x3264x384xbf16, #tpu.memory_space<vmem>>, vector<1x3136x384xbf16>
    %get3A_92 = vector.shape_cast %get3A_91 : vector<1x3136x384xbf16> to vector<3136x384xbf16>
    %swap3A_93 = arith.constant 0 : index
    %swap3A_94 = arith.constant 2688 : index
    %swap3A_95 = vector.load %arg7[%swap3A_93, %swap3A_94] : memref<3136x3456xbf16, #tpu.memory_space<vmem>>, vector<3136x384xbf16>
    tpu.vector_store %arg7[%swap3A_93, %swap3A_94], %get3A_92 {strides = array<i32>} : memref<3136x3456xbf16, #tpu.memory_space<vmem>>, vector<3136x384xbf16>,
    %get3A_96 = arith.constant 0 : index
    %get3A_97 = arith.constant 121 : index
    %get3A_98 = arith.constant 0 : index
    %get3A_99 = vector.load %arg3[%get3A_96, %get3A_97, %get3A_98] : memref<1x3264x384xbf16, #tpu.memory_space<vmem>>, vector<1x3136x384xbf16>
    %get3A_100 = vector.shape_cast %get3A_99 : vector<1x3136x384xbf16> to vector<3136x384xbf16>
    %mul3A_101 = vector.broadcast %convert_element_type3A_24 : vector<3136x1xbf16> to vector<3136x384xbf16>
    %mul3A_102 = arith.mulf %get3A_100, %mul3A_101 : vector<3136x384xbf16>
    %swap3A_103 = arith.constant 0 : index
    %swap3A_104 = arith.constant 3072 : index
    %swap3A_105 = vector.load %arg7[%swap3A_103, %swap3A_104] : memref<3136x3456xbf16, #tpu.memory_space<vmem>>, vector<3136x384xbf16>
    tpu.vector_store %arg7[%swap3A_103, %swap3A_104], %mul3A_102 {strides = array<i32>} : memref<3136x3456xbf16, #tpu.memory_space<vmem>>, vector<3136x384xbf16>,
    %get3A_106 = arith.constant 0 : index
    %get3A_107 = arith.constant 0 : index
    %get3A_108 = arith.constant 0 : index
    %get3A_109 = arith.constant 0 : index
    %get3A_110 = vector.load %arg4[%get3A_106, %get3A_107, %get3A_108, %get3A_109] : memref<1x9x384x384xbf16, #tpu.memory_space<vmem>>, vector<1x9x384x384xbf16>
    %get3A_111 = vector.shape_cast %get3A_110 : vector<1x9x384x384xbf16> to vector<9x384x384xbf16>
    %reshape3A = vector.shape_cast %get3A_111 : vector<9x384x384xbf16> to vector<3456x384xbf16>
    %get3A_112 = arith.constant 0 : index
    %get3A_113 = arith.constant 0 : index
    %get3A_114 = vector.load %arg7[%get3A_112, %get3A_113] : memref<3136x3456xbf16, #tpu.memory_space<vmem>>, vector<3136x3456xbf16>
    %dot_general3A = arith.constant dense<0.000000e+00> : vector<3136x384xf32>
    %dot_general3A_115 = tpu.matmul %get3A_114, %reshape3A, %dot_general3A {dimension_numbers = #tpu.dot_dimension_numbers<[1], [0], [0], [1], [0, 0, 1, 1], [], []>, transpose_lhs_hint = false} : vector<3136x3456xbf16>, vector<3456x384xbf16>, vector<3136x384xf32> -> vector<3136x384xf32>
    %get3A_116 = arith.constant 0 : index
    %get3A_117 = arith.constant 0 : index
    %get3A_118 = arith.constant 0 : index
    %get3A_119 = vector.load %arg5[%get3A_116, %get3A_117, %get3A_118] : memref<1x1x384xf32, #tpu.memory_space<vmem>>, vector<1x1x384xf32>
    %get3A_120 = vector.shape_cast %get3A_119 : vector<1x1x384xf32> to vector<384xf32>
    %broadcast_in_dim3A = vector.shape_cast %get3A_120 : vector<384xf32> to vector<1x384xf32>
    %add3A_121 = vector.broadcast %broadcast_in_dim3A : vector<1x384xf32> to vector<3136x384xf32>
    %add3A_122 = arith.addf %dot_general3A_115, %add3A_121 : vector<3136x384xf32>
    %swap3A_123 = arith.constant 0 : index
    %swap3A_124 = arith.constant 0 : index
    %swap3A_125 = arith.constant 0 : index
    %swap3A_126 = vector.load %arg6[%swap3A_123, %swap3A_124, %swap3A_125] : memref<1x3136x384xf32, #tpu.memory_space<vmem>>, vector<1x3136x384xf32>
    %swap3A_127 = vector.shape_cast %swap3A_126 : vector<1x3136x384xf32> to vector<3136x384xf32>
    %swap3A_128 = vector.shape_cast %add3A_122 : vector<3136x384xf32> to vector<1x3136x384xf32>
    tpu.vector_store %arg6[%swap3A_123, %swap3A_124, %swap3A_125], %swap3A_128 {strides = array<i32>} : memref<1x3136x384xf32, #tpu.memory_space<vmem>>, vector<1x3136x384xf32>,
    return
  }
  func.func @transform_0(%arg0: i32, %arg1: memref<16xi32, #tpu.memory_space<smem>>, %arg2: memref<16xi32, #tpu.memory_space<smem>>) -> (i32, i32, i32) {
    %get3A = arith.index_cast %arg0 : i32 to index
    %get3A_0 = memref.load %arg2[%get3A] : memref<16xi32, #tpu.memory_space<smem>>
    %c0_i32 = arith.constant 0 : i32
    %c0_i32_1 = arith.constant 0 : i32
    %c0_i32_2 = arith.constant 0 : i32
    return %get3A_0, %c0_i32, %c0_i32_1 : i32, i32, i32
  }
  func.func @transform_1(%arg0: i32, %arg1: memref<16xi32, #tpu.memory_space<smem>>, %arg2: memref<16xi32, #tpu.memory_space<smem>>) -> (i32, i32, i32, i32) {
    %get3A = arith.index_cast %arg0 : i32 to index
    %get3A_0 = memref.load %arg1[%get3A] : memref<16xi32, #tpu.memory_space<smem>>
    %c0_i32 = arith.constant 0 : i32
    %c0_i32_1 = arith.constant 0 : i32
    %c0_i32_2 = arith.constant 0 : i32
    %c0_i32_3 = arith.constant 0 : i32
    return %get3A_0, %c0_i32, %c0_i32_1, %c0_i32_2 : i32, i32, i32, i32
  }
  func.func @transform_2(%arg0: i32, %arg1: memref<16xi32, #tpu.memory_space<smem>>, %arg2: memref<16xi32, #tpu.memory_space<smem>>) -> (i32, i32, i32) {
    %get3A = arith.index_cast %arg0 : i32 to index
    %get3A_0 = memref.load %arg1[%get3A] : memref<16xi32, #tpu.memory_space<smem>>
    %c0_i32 = arith.constant 0 : i32
    %c0_i32_1 = arith.constant 0 : i32
    %c0_i32_2 = arith.constant 0 : i32
    return %get3A_0, %c0_i32, %c0_i32_1 : i32, i32, i32
  }
  func.func @transform_3(%arg0: i32, %arg1: memref<16xi32, #tpu.memory_space<smem>>, %arg2: memref<16xi32, #tpu.memory_space<smem>>) -> (i32, i32, i32) {
    %get3A = arith.index_cast %arg0 : i32 to index
    %get3A_0 = memref.load %arg2[%get3A] : memref<16xi32, #tpu.memory_space<smem>>
    %c0_i32 = arith.constant 0 : i32
    %c0_i32_1 = arith.constant 0 : i32
    %c0_i32_2 = arith.constant 0 : i32
    return %get3A_0, %c0_i32, %c0_i32_1 : i32, i32, i32
  }
}

</mosaic_0001>

<sc_bundles>
// kernel: kernel.5.cloned.1.call-start
scs
__scs_entry_jumppad:
0x0: {  	(pc) =	sbr.rel $0x88, $3  }
0x1: {  	(tag) =	ssettag $0x0;
	lr =	simm.s32 $0x1  }
0x2: {  	[smem:$0x3F9C] =	sst lr;
	_ =	strace $0xD0000000  }
0x3: {  	_ = 	snop  }
0x4: {  	_ = 	snop  }
0x5: {  	_ = 	snop  }
0x6: {  	_ = 	snop  }
0x7: {  	_ = 	snop  }
__scs_overlays_trampoline_lowered:
0x8: {  	[smem:$0x3FAB] =	sst s0  }
0x9: {  	[smem:$0x3FAC] =	sst s1  }
0xa: {  	[smem:$0x3FAD] =	sst s2  }
0xb: {  	[smem:$0x3FAE] =	sst s3  }
0xc: {  	[smem:$0x3FAF] =	sst s4  }
0xd: {  	[smem:$0x3FB0] =	sst s5  }
0xe: {  	[smem:$0x3FB1] =	sst s6  }
0xf: {  	[smem:$0x3FB2] =	sst s7  }
0x10: {  	[smem:$0x3FB3] =	sst s8  }
0x11: {  	[smem:$0x3FB4] =	sst s9;
	s0 =	simm.s32 @!p0 $0x0  }
0x12: {  	s1 =	sld [smem:$0x3F9A];
	s0 =	simm.s32 @p0 $0x1  }
0x13: {  	[smem:$0x3FB5] =	sst s0;
	s0 =	simm.s32 @!p1 $0x0  }
0x14: {  	s2 =	sld [smem:$0x3F99];
	s0 =	simm.s32 @p1 $0x1  }
0x15: {  	[smem:$0x3FB6] =	sst s0;
	s0 =	simm.s32 @!p2 $0x0  }
0x16: {  	s3 =	sld [smem:$0x3FDB];
	s0 =	simm.s32 @p2 $0x1  }
0x17: {  	s4 =	simm.s32 $0x1BF5;
	[smem:$0x3FB8] =	sst s0  }
0x18: {  	s0 =	sld [smem:$0x3F9B];
	_ =	swait.ge [sflag:s4], $0x0  }
0x19: {  	s7 =	sld [smem:$0x3F9C]  }
0x1a: {  	s8 =	sadd.s32 $0xFFFFE003, lr  }
0x1b: {  	s9 =	sadd.s32 $0xFFFFFEF7, lr;
	s5 =	simm.s32 $0xFFFFFFFF;
	p2 =	slt.u32 s8, $0xFFFFF086  }
0x1c: {  	p1 =	slt.u32 s9, $0xF7A;
	s5 =	simm.s32 @!p2 $0x0  }
0x1d: {  	s5 =	simm.s32 @p1 $0x1;
	p0 =	seq.s32 s7, s2  }
0x1e: {  	s7 =	smul.u32 @!p0 $0xF7A, s2;
	p2 =	seq.s32 @!p0 s5, $0x0  }
0x1f: {  	s9 =	smul.u32 $0xF7A, s1;
	s8 =	simm.s32 @!p0 $0x1BF5;
	p2 =	por !p2, p0  }
0x20: {  	[sflag:s8] =	ssyncset.s32 @!p0 $0xFFFFF086;
	s6 =	sadd.s32 @!p0 s3, s7;
	s7 =	simm.s32 @!p0 $0x108  }
0x21: {  	s3 =	sadd.s32 s3, s9;
	s6 =	sadd.s32 @!p0 $0x88, s6;
	s7 =	simm.s32 @p2 $0x1082  }
0x22: {  	[simem:s7], [sflag:s8] =	dma.local @!p0 [hbm:s6], $0xF7A  }
0x23: {  	s9 =	sor.u32 $0xD0000000, s2;
	s6 =	simm.s32 $0x108;
	_ =	swait.ge @!p0 [sflag:s8], $0x0  }
0x24: {  	s3 =	sadd.s32 $0x88, s3;
	s6 =	simm.s32 @!p1 $0x1082;
	[sflag:s4] =	ssyncset.s32 $0xFFFFF086  }
0x25: {  	[simem:s6], [sflag:s4] =	dma.local [hbm:s3], $0xF7A  }
0x26: {  	[smem:$0x3F9C] =	sst s1;
	(tag) =	ssettag s2;
	_ =	strace s9  }
0x27: {  	s1 =	sld [smem:$0x3FAC]  }
0x28: {  	s2 =	sld [smem:$0x3FAD]  }
0x29: {  	s4 =	sld [smem:$0x3FAF]  }
0x2a: {  	p0 =	seq.s32 s5, $0x0;
	s5 =	sld [smem:$0x3FB0]  }
0x2b: {  	s6 =	sld [smem:$0x3FB1]  }
0x2c: {  	s7 =	sld [smem:$0x3FB2]  }
0x2d: {  	s3 =	simm.s32 $0x108;
	s8 =	sld [smem:$0x3FB3]  }
0x2e: {  	s3 =	simm.s32 @!p0 $0x1082;
	s9 =	sld [smem:$0x3FB4]  }
0x2f: {  	lr =	sadd.s32 s0, s3;
	s0 =	sld [smem:$0x3FAB]  }
0x30: {  	s3 =	sld [smem:$0x3FAE]  }
0x31: {  	[smem:$0x3FB7] =	sst s10  }
0x32: {  	s10 =	sld [smem:$0x3FB5];
	_ =	sdelay $0x3  }
0x33: {  	p0 =	seq.s32 s10, $0x1;
	s10 =	sld [smem:$0x3FB7];
	_ =	sdelay $0x3  }
0x34: {  	[smem:$0x3FB7] =	sst s10  }
0x35: {  	s10 =	sld [smem:$0x3FB6];
	_ =	sdelay $0x3  }
0x36: {  	p1 =	seq.s32 s10, $0x1;
	s10 =	sld [smem:$0x3FB7];
	_ =	sdelay $0x3  }
0x37: {  	[smem:$0x3FB7] =	sst s10  }
0x38: {  	s10 =	sld [smem:$0x3FB8]  }
0x39: {  	_ = 	snop;
	(pc) =	sbr.ind lr, $3  }
0x3a: {  	_ = 	snop  }
0x3b: {  	_ = 	snop  }
0x3c: {  	p2 =	seq.s32 s10, $0x1;
	s10 =	sld [smem:$0x3FB7]  }
0x3d: {  	_ =	shalt  }
0x3e: {  	_ =	shalt  }
0x3f: {  	_ =	shalt  }
0x40: {  	_ =	shalt  }
0x41: {  	_ =	shalt  }
0x42: {  	_ =	shalt  }
0x43: {  	_ =	shalt  }
0x44: {  	_ =	shalt  }
0x45: {  	_ =	shalt  }
0x46: {  	_ =	shalt  }
0x47: {  	_ =	shalt  }
0x48: {  	_ =	shalt  }
0x49: {  	_ =	shalt  }
0x4a: {  	_ =	shalt  }
0x4b: {  	_ =	shalt  }
0x4c: {  	_ =	shalt  }
0x4d: {  	_ =	shalt  }
0x4e: {  	_ =	shalt  }
0x4f: {  	_ =	shalt  }
0x50: {  	_ =	shalt  }
0x51: {  	_ =	shalt  }
0x52: {  	_ =	shalt  }
0x53: {  	_ =	shalt  }
0x54: {  	_ =	shalt  }
0x55: {  	_ =	shalt  }
0x56: {  	_ =	shalt  }
0x57: {  	_ =	shalt  }
0x58: {  	_ =	shalt  }
0x59: {  	_ =	shalt  }
0x5a: {  	_ =	shalt  }
0x5b: {  	_ =	shalt  }
0x5c: {  	_ =	shalt  }
0x5d: {  	_ =	shalt  }
0x5e: {  	_ =	shalt  }
0x5f: {  	_ =	shalt  }
0x60: {  	_ =	shalt  }
0x61: {  	_ =	shalt  }
0x62: {  	_ =	shalt  }
0x63: {  	_ =	shalt  }
0x64: {  	_ =	shalt  }
0x65: {  	_ =	shalt  }
0x66: {  	_ =	shalt  }
0x67: {  	_ =	shalt  }
0x68: {  	_ =	shalt  }
0x69: {  	_ =	shalt  }
0x6a: {  	_ =	shalt  }
0x6b: {  	_ =	shalt  }
0x6c: {  	_ =	shalt  }
0x6d: {  	_ =	shalt  }
0x6e: {  	_ =	shalt  }
0x6f: {  	_ =	shalt  }
0x70: {  	_ =	shalt  }
0x71: {  	_ =	shalt  }
0x72: {  	_ =	shalt  }
0x73: {  	_ =	shalt  }
0x74: {  	_ =	shalt  }
0x75: {  	_ =	shalt  }
0x76: {  	_ =	shalt  }
0x77: {  	_ =	shalt  }
0x78: {  	_ =	shalt  }
0x79: {  	_ =	shalt  }
0x7a: {  	_ =	shalt  }
0x7b: {  	_ =	shalt  }
0x7c: {  	_ =	shalt  }
0x7d: {  	_ =	shalt  }
0x7e: {  	_ =	shalt  }
0x7f: {  	_ =	shalt  }
0x80: {  	_ =	shalt  }
0x81: {  	_ =	shalt  }
0x82: {  	_ =	shalt  }
0x83: {  	_ =	shalt  }
0x84: {  	_ =	shalt  }
0x85: {  	_ =	shalt  }
0x86: {  	_ =	shalt  }
0x87: {  	_ =	shalt  }
.Lfunc_end0:
.L_simem_size_0:
called_computation_lowered:
.L_overlay_start_0:
0x88: {  	s2 =	sld [smem:$0x3FD9]  }
0x89: {  	s3 =	sld [smem:$0x3FFE];
	_ =	sdelay $0x1  }
0x8a: {  	s1 =	srdreg.scid  }
0x8b: {  	s0 =	sand.u32 $0x1, s1  }
0x8c: {  	s16 =	sshll.u32 s0, $0xA;
	s2 =	sadd.s32 s3, s2  }
0x8d: {  	s2 =	sadd.s32 s2, s16  }
0x8e: {  	[smem:$0x3FC3] =	sst s2  }
0x8f: {  	_ = 	snop  }
0x90: {  	(tm) =	ssettm $0x1  }
0x91: {  	s17 =	sld [smem:$0x3FFB];
	_ =	sdelay $0x3  }
0x92: {  	_ =	strace s17  }
0x93: {  	s2 =	sld [smem:$0x3FFC];
	_ =	sdelay $0x3  }
0x94: {  	_ =	strace s2  }
0x95: {  	s2 =	sld [smem:$0x3FFD];
	_ =	sdelay $0x3  }
0x96: {  	_ =	strace s2  }
0x97: {  	_ =	strace $0x8FFFFFFF  }
0x98: {  	s18 =	sld [smem:$0x3FDB];
	_ =	sdelay $0x1  }
0x99: {  	s19 =	simm.s32 $_scs_section_size  }
0x9a: {  	s4 =	simm.s32 $_size__tile_overlayer_lowered;
	s5 =	simm.s32 $_tile_overlayer_lowered  }
0x9b: {  	s22 =	simm.s32 $0x1BFF;
	s21 =	sshll.u32 s5, $0x1;
	s2 =	sadd.s32 s19, s18  }
0x9c: {  	s6 =	simm.s32 $0x0;
	s20 =	sshll.u32 s4, $0x1;
	s4 =	sadd.s32 s21, s2  }
0x9d: {  	[timem:s6], [sflag:s22] =	dma.local [hbm:s4], s20  }
0x9e: {  	_ =	swait.ge [sflag:s22], s20  }
0x9f: {  	s3 =	ssub.s32 $0x0, s20;
	[sflag:s22] =	ssyncset.done $0x0  }
0xa0: {  	[sflag:s22] =	ssyncadd.s32 s3;
	_ =	sdelay $0x1  }
0xa1: {  	s23 =	simm.s32 $0x1B8B  }
0xa2: {  	_ =	swait.ge [sflag:s23], $0x1  }
0xa3: {  	[sflag:s23] =	ssyncset.done $0x0  }
0xa4: {  	s25 =	simm.s32 $0x1B8E;
	s24 =	sld [smem:$0x3FFE];
	[sflag:s23] =	ssyncadd.s32 $0xFFFFFFFF  }
0xa5: {  	s26 =	simm.s32 $execute0_lowered;
	[smem:$0x3FD2] =	sst s25  }
0xa6: {  	s4 =	sshll.u32 s26, $0x1;
	_ =	strace $0x80000046;
	[dreg:$0x1] =	wrdreg $0xFFFFFFFF  }
0xa7: {  	s28 =	simm.s32 $_size_execute0_lowered;
	s2 =	sadd.s32 s2, s4;
	[dreg:$0x0] =	wrdreg $0x0  }
0xa8: {  	s4 =	sshll.u32 s28, $0x1;
	[dreg:$0x2] =	wrdreg s2  }
0xa9: {  	[dreg:$0x3] =	wrdreg s4  }
0xaa: {  	[dreg:$0x4] =	wrdreg $0xC0  }
0xab: {  	_ =	task [dreg:s6], $0x5FFFF  }
0xac: {  	[dreg:$0x1] =	wrdreg $0xFFFFFFFF  }
0xad: {  	[dreg:$0x0] =	wrdreg $0x60  }
0xae: {  	[dreg:$0x2] =	wrdreg s24  }
0xaf: {  	[dreg:$0x3] =	wrdreg $0x9  }
0xb0: {  	_ =	task.clear_ibuf [dreg:s6], $0x4FFFF;
	_ =	strace $0x90000046  }
0xb1: {  	s29 =	simm.s32 $0x9;
	_ =	strace $0x80000048  }
0xb2: {  	_ =	swait.ge [sflag:s29], $0x1  }
0xb3: {  	[sflag:s29] =	ssyncadd.s32 $0xFFFFFFFF  }
0xb4: {  	_ =	strace $0x90000048  }
0xb5: {  	_ =	sfence  }
0xb6: {  	s30 =	sld [smem:$0x0];
	_ =	sdelay $0x2  }
0xb7: {  	s31 =	sshll.u32 s1, $0xD;
	s1 =	sshrl.u32 s1, $0x2  }
0xb8: {  	s3 =	sand.u32 $0x4000, s31;
	s1 =	sadd.s32 s1, s30  }
0xb9: {  	s0 =	sor.u32 s3, s0;
	s1 =	sshll.u32 s1, $0x11  }
0xba: {  	s0 =	sor.u32 s1, s0  }
0xbb: {  	s0 =	sadd.s32 $0x8F2B, s0  }
0xbc: {  	[sflag:s0] =	ssyncadd.remote.s32 $0x1  }
0xbd: {  	_ =	sfence.sel $0xFFFF  }
0xbe: {  	[dreg:$0x0] =	wrdreg $0xFFFFFFFF;
	(pc) =	sbr.abs _section_cstart, $3  }
0xbf: {  	[dreg:$0x1] =	wrdreg $0xFFFFFFFF  }
0xc0: {  	_ =	task.clear_ibuf [dreg:s6], $0x2FFFF;
	_ =	strace $0x9FFFFFFF  }
0xc1: {  	(tm) =	ssettm $0x7FFFFFFF  }
tec
execute0_lowered:
.L_overlay_start_1:
0x0: {  	(tag) =	ssettag $0x1  }
0x1: {  	s0 =	srdreg.scid  }
0x2: {  	s6 =	sand.u32 $0x1, s0;
	s0 =	stileid.u32  }
0x3: {  	s2 =	sshll.u32 s0, $0x1;
	s3 =	ssub.s32 $0x0, s6  }
0x4: {  	p0 =	sne.s32 s2, s3  }
.Ltmp0:
0x5: {  	_ = 	snop;
	(pc) =	sbr.rel @p0 .LBB2_4-.Ltmp0, $3  }
0x6: {  	_ =	sdelay $0x1  }
0x7: {  	s7 =	rddreg [dreg:$0x0]  }
0x8: {  	s1 =	rddreg [dreg:$0x1];
	_ =	strace $0x80000047  }
0x9: {  	s2 =	sadd.s32 $0x133400, s7;
	s4 =	simm.s32 $0x0;
	s3 =	simm.s32 $0x1  }
0xa: {  	[tilespmem:s4], [sflag:$0x1] =	stream.linear.gather [hbm4b:s2+s4], $0x80, $0x38;
	[tilespmem:$0x180] =	vst v63  }
0xb: {  	_ =	swait.ge [sflag:s3], $0x80  }
0xc: {  	[sflag:s3] =	ssyncset.done $0x0  }
0xd: {  	[sflag:s3] =	ssyncadd.s32 $0xFFFFFF80  }
0xe: {  	v1 =	vld [tilespmem:$0x0];
	_ =	sdelay $0x4  }
0xf: {  	v0 =	vlaneseq.u32;
	v1 =	vxor.u32 $0x80000000, v1  }
0x10: {  	(xrf1) =	vsort.ascd.msk.u32 $0xffff, v1, v0;
	_ =	sdelay $0xc  }
0x11: {  	s8 =	ssub.s32 $0x2, s6  }
0x12: {  	s9 =	sshrl.u32 s8, $0x1;
	v1, v2, _ =	vpop (xrf1)  }
0x13: {  	s8 =	ssub.s32 s8, s9;
	v1 =	vxor.u32 $0x80000000, v1;
	[tilespmem:$0x100] =	vst v2  }
0x14: {  	s5 =	sadd.s32 $0x133600, s7;
	s6 =	simm.s32 $0x80;
	s9 =	smax.u32 s8, $0x1;
	[tilespmem:$0x80] =	vst v1  }
0x15: {  	[hbm4b:s5+s4] =	stream.linear.scatter [tilespmem:s6], [sflag:$0x1], $0x80, $0x38;
	[tilespmem:$0x180] =	vst v63  }
0x16: {  	p0 =	sne.s32 s9, $0x1;
	_ =	swait.ge [sflag:s3], $0x80  }
.Ltmp1:
0x17: {  	[sflag:s3] =	ssyncset.done $0x0;
	(pc) =	sbr.rel @!p0 .LBB2_3-.Ltmp1, $4  }
0x18: {  	s7 =	sadd.s32 $0x133800, s7;
	s8 =	simm.s32 $0x100;
	[sflag:s3] =	ssyncadd.s32 $0xFFFFFF80  }
0x19: {  	[hbm4b:s7+s4] =	stream.linear.scatter [tilespmem:s8], [sflag:$0x1], $0x80, $0x38;
	[tilespmem:$0x180] =	vst v63  }
0x1a: {  	_ =	swait.ge [sflag:s3], $0x80  }
0x1b: {  	s9 =	sadd.s32 $0xFFFFFFFF, s9;
	[sflag:s3] =	ssyncset.done $0x0  }
.LBB2_2:
0x1c: {  	p0 =	sne.s32 s9, $0x1;
	s9 =	sadd.s32 $0xFFFFFFFF, s9;
	[sflag:s3] =	ssyncadd.s32 $0xFFFFFF80  }
0x1d: {  	[tilespmem:s4], [sflag:$0x1] =	stream.linear.gather [hbm4b:s2+s4], $0x80, $0x38;
	[tilespmem:$0x180] =	vst v63  }
0x1e: {  	_ =	swait.ge [sflag:s3], $0x80  }
0x1f: {  	[sflag:s3] =	ssyncset.done $0x0  }
0x20: {  	[sflag:s3] =	ssyncadd.s32 $0xFFFFFF80  }
0x21: {  	v1 =	vld [tilespmem:$0x0];
	_ =	sdelay $0x4  }
0x22: {  	v1 =	vxor.u32 $0x80000000, v1  }
0x23: {  	(xrf1) =	vsort.ascd.msk.u32 $0xffff, v1, v0;
	_ =	sdelay $0xd  }
0x24: {  	v1, v2, _ =	vpop (xrf1)  }
0x25: {  	v1 =	vxor.u32 $0x80000000, v1;
	[tilespmem:$0x100] =	vst v2  }
0x26: {  	[tilespmem:$0x80] =	vst v1  }
0x27: {  	[hbm4b:s5+s4] =	stream.linear.scatter [tilespmem:s6], [sflag:$0x1], $0x80, $0x38;
	[tilespmem:$0x180] =	vst v63  }
0x28: {  	_ =	swait.ge [sflag:s3], $0x80  }
.Ltmp2:
0x29: {  	[sflag:s3] =	ssyncset.done $0x0;
	(pc) =	sbr.rel @p0 .LBB2_2-.Ltmp2, $4  }
0x2a: {  	[sflag:s3] =	ssyncadd.s32 $0xFFFFFF80  }
0x2b: {  	[hbm4b:s7+s4] =	stream.linear.scatter [tilespmem:s8], [sflag:$0x1], $0x80, $0x38;
	[tilespmem:$0x180] =	vst v63  }
0x2c: {  	_ =	swait.ge [sflag:s3], $0x80  }
0x2d: {  	[sflag:s3] =	ssyncset.done $0x0  }
.LBB2_3:
0x2e: {  	[sflag:s3] =	ssyncadd.s32 $0xFFFFFF80  }
.LBB2_4:
0x2f: {  	_ =	sfence.sel $0x180000  }
0x30: {  	[bflag:$0x0] =	sbarrier.arrive $0xFFFF  }
0x31: {  	p0 =	sne.s32 s0, $0x0;
	_ =	strace $0x90000047  }
0x32: {  	s0 =	sadd.s32 @!p0 $0x100000, s1;
	[bflag:$0x2] =	sbarrier.arrive $0xFFFF  }
0x33: {  	[sflag:s0] =	ssyncadd.tile.s32 @!p0 $0x1;
	_ =	shalt  }
.Lfunc_end2:
_tile_overlayer_lowered:
.L_overlay_start_2:
0x34: {  	(tag) =	ssettag $0x2  }
0x35: {  	s0 =	rddreg [dreg:$0x0];
	s2 =	stileid.u32  }
0x36: {  	s1 =	rddreg [dreg:$0x1];
	p0 =	sne.s32 s2, $0x0  }
0x37: {  	s3 =	rddreg [dreg:$0x2];
	[bflag:$0x3] =	sbarrier.arrive $0xFFFF;
	s2 =	simm.s32 @!p0 $0x1C01  }
0x38: {  	[timem:s3], [sflag:s2] =	dma.local @!p0 [hbm:s0], s1  }
0x39: {  	s0 =	simm.s32 @!p0 $0x1  }
0x3a: {  	_ =	swait.ge @!p0 [sflag:s0], s1  }
0x3b: {  	s1 =	ssub.s32 @!p0 $0x0, s1;
	[sflag:s0] =	ssyncset.done @!p0 $0x0  }
0x3c: {  	[sflag:s0] =	ssyncadd.s32 @!p0 s1  }
0x3d: {  	[bflag:$0x3] =	sbarrier.arrive $0xFFFF  }
0x3e: {  	_ =	shalt  }

</sc_bundles>
